<compile_context>
chip_gen: v7x
topology: tpu7x:2x2x1
jax: 0.10.2.dev20260603
libtpu: 0.0.44.dev20260713+nightly
codegen_flags: <defaults>
</compile_context>

<pallas_src>
import functools

import jax
import jax.numpy as jnp
from jax.experimental import pallas as pl
from jax.experimental.pallas import tpu as pltpu

_NPOINTS = (512, 256, 128)
_RADII = (0.2, 0.4, 0.8)
_K = 32
_NEG = -1e30
_BIG = 1e30


def _fps_kernel(npoint, pts_ref, cents_ref):
    pts = pts_ref[...]
    B, N, _ = pts.shape
    iota_n = jax.lax.broadcasted_iota(jnp.int32, (B, N), 1)

    def body(i, carry):
        dmin, far = carry
        oh = (iota_n == far[:, None]).astype(pts.dtype)
        c = jnp.sum(pts * oh[:, :, None], axis=1)
        cents_ref[:, pl.ds(i, 1), :] = c[:, None, :]
        d = jnp.sum((pts - c[:, None, :]) ** 2, axis=-1)
        dmin = jnp.minimum(dmin, d)
        mx = jnp.max(dmin, axis=-1)
        far = jnp.min(jnp.where(dmin == mx[:, None], iota_n, N), axis=-1)
        return dmin, far

    dmin0 = jnp.full((B, N), 1e10, dtype=pts.dtype)
    far0 = jnp.zeros((B,), jnp.int32)
    jax.lax.fori_loop(0, npoint, body, (dmin0, far0))


def _fps(points, npoint):
    B, N, _ = points.shape
    Bb = B // 2
    return pl.pallas_call(
        functools.partial(_fps_kernel, npoint),
        grid=(2,),
        in_specs=[pl.BlockSpec((Bb, N, 3), lambda i: (i, 0, 0))],
        out_specs=pl.BlockSpec((Bb, npoint, 3), lambda i: (i, 0, 0)),
        out_shape=jax.ShapeDtypeStruct((B, npoint, 3), points.dtype),
    )(points)


def _sa_kernel(r2, n_chunk, pts_ref, feat_ref, cents_ref, w_ref, b_ref,
               out_ref, d_scr):
    p = pts_ref[0]
    f = feat_ref[0]
    c = cents_ref[0]
    w = w_ref[...]
    bias = b_ref[...]
    N = p.shape[0]
    Sc = c.shape[0]

    a = (jnp.dot(p, w[:3], preferred_element_type=jnp.float32)
         + jnp.dot(f, w[3:], preferred_element_type=jnp.float32)
         + bias)
    u = jnp.dot(c, w[:3], preferred_element_type=jnp.float32)

    sq = jnp.sum(p * p, axis=-1)
    sqc = jnp.sum(c * c, axis=-1)
    d_scr[...] = (sqc[:, None] + sq[None, :]
                  - 2.0 * jnp.dot(c, p.T, preferred_element_type=jnp.float32))

    C = w.shape[1]
    iota_n = jax.lax.broadcasted_iota(jnp.int32, (Sc, N), 1)

    def body(t, m):
        dv = d_scr[...]
        dmin = jnp.min(dv, axis=1)
        amin = jnp.argmin(dv, axis=1).astype(jnp.int32)
        oh = iota_n == amin[:, None]
        include = (dmin <= r2) | (t == 0)
        sel = jnp.dot(oh.astype(jnp.float32), a,
                      preferred_element_type=jnp.float32,
                      precision=jax.lax.Precision.HIGHEST)
        m = jnp.where(include[:, None], jnp.maximum(m, sel), m)
        d_scr[...] = jnp.where(oh, _BIG, dv)
        return m

    m0 = jnp.full((Sc, C), _NEG, jnp.float32)
    m = jax.lax.fori_loop(0, _K, body, m0)
    out_ref[0] = jax.nn.relu(m - u)


def _set_abstraction(points, feats, cents, W, b, r2, s_chunk, n_chunk):
    B, N, _ = points.shape
    Cin = feats.shape[-1]
    S = cents.shape[1]
    C = W.shape[1]
    b2 = b.reshape(1, C)
    grid = (B, S // s_chunk)
    return pl.pallas_call(
        functools.partial(_sa_kernel, r2, n_chunk),
        grid=grid,
        in_specs=[
            pl.BlockSpec((1, N, 3), lambda bi, si: (bi, 0, 0)),
            pl.BlockSpec((1, N, Cin), lambda bi, si: (bi, 0, 0)),
            pl.BlockSpec((1, s_chunk, 3), lambda bi, si: (bi, si, 0)),
            pl.BlockSpec((3 + Cin, C), lambda bi, si: (0, 0)),
            pl.BlockSpec((1, C), lambda bi, si: (0, 0)),
        ],
        out_specs=pl.BlockSpec((1, s_chunk, C), lambda bi, si: (bi, si, 0)),
        out_shape=jax.ShapeDtypeStruct((B, S, C), jnp.float32),
        scratch_shapes=[
            pltpu.VMEM((s_chunk, N), jnp.float32),
        ],
    )(points, feats, cents, W, b2)


def _head_kernel(f_ref, w1_ref, b1_ref, g1_ref, be1_ref, w2_ref, b2_ref,
                 g2_ref, be2_ref, w3_ref, b3_ref, out_ref):
    eps = 1e-5
    x = jnp.max(f_ref[...], axis=1)

    x = jnp.dot(x, w1_ref[...], preferred_element_type=jnp.float32) + b1_ref[...]
    mu = jnp.mean(x, axis=0)
    var = jnp.var(x, axis=0)
    x = jax.nn.relu((x - mu) / jnp.sqrt(var + eps) * g1_ref[...] + be1_ref[...])

    x = jnp.dot(x, w2_ref[...], preferred_element_type=jnp.float32) + b2_ref[...]
    mu = jnp.mean(x, axis=0)
    var = jnp.var(x, axis=0)
    x = jax.nn.relu((x - mu) / jnp.sqrt(var + eps) * g2_ref[...] + be2_ref[...])

    out_ref[...] = (jnp.dot(x, w3_ref[...], preferred_element_type=jnp.float32)
                    + b3_ref[...])


def _head(f3, fc1_W, fc1_b, bn1_g, bn1_b, fc2_W, fc2_b, bn2_g, bn2_b,
          fc3_W, fc3_b):
    B = f3.shape[0]
    args = (f3, fc1_W, fc1_b.reshape(1, -1), bn1_g.reshape(1, -1),
            bn1_b.reshape(1, -1), fc2_W, fc2_b.reshape(1, -1),
            bn2_g.reshape(1, -1), bn2_b.reshape(1, -1), fc3_W,
            fc3_b.reshape(1, -1))
    return pl.pallas_call(
        _head_kernel,
        out_shape=jax.ShapeDtypeStruct((B, 12), jnp.float32),
    )(*args)


def _fps_xla(points, npoint):
    B, N, _ = points.shape
    def body(carry, _):
        dmin, far = carry
        c = points[jnp.arange(B), far]
        d = jnp.sum((points - c[:, None, :]) ** 2, axis=-1)
        dmin = jnp.minimum(dmin, d)
        nf = jnp.argmax(dmin, axis=-1).astype(jnp.int32)
        return (dmin, nf), far
    init = (jnp.full((B, N), 1e10, dtype=points.dtype),
            jnp.zeros((B,), jnp.int32))
    _, idxs = jax.lax.scan(body, init, None, length=npoint)
    idx = jnp.transpose(idxs)
    return points[jnp.arange(B)[:, None], idx]


def _sa_group(points, features, cents, radius, k, W, b):
    sq = jnp.sum(points ** 2, axis=-1)
    sqc = jnp.sum(cents ** 2, axis=-1)
    d = sqc[:, :, None] + sq[:, None, :] - 2.0 * jnp.einsum(
        'bsd,bnd->bsn', cents, points)
    neg_d, knn = jax.lax.top_k(-d, k)
    knn_d = -neg_d
    knn = jnp.where(knn_d > radius * radius, knn[..., :1], knn)
    bidx = jnp.arange(points.shape[0])[:, None, None]
    g_xyz = points[bidx, knn] - cents[:, :, None, :]
    g_feat = features[bidx, knn]
    g = jnp.concatenate([g_xyz, g_feat], axis=-1)
    h = jax.nn.relu(jnp.einsum('bski,io->bsko', g, W) + b)
    return jnp.max(h, axis=2)


@jax.jit
def kernel(points, W1, b1, W2, b2, W3, b3, fc1_W, fc1_b, bn1_g, bn1_b,
           fc2_W, fc2_b, bn2_g, bn2_b, fc3_W, fc3_b):
    B = points.shape[0]
    p, f = points, points

    c1 = _fps(p, _NPOINTS[0])
    f1 = _sa_group(p, f, c1, _RADII[0], _K, W1, b1)
    c2 = _fps(c1, _NPOINTS[1])
    f2 = _sa_group(c1, f1, c2, _RADII[1], _K, W2, b2)
    c3 = _fps(c2, _NPOINTS[2])
    f3 = _sa_group(c2, f2, c3, _RADII[2], _K, W3, b3)

    x = _head(f3, fc1_W, fc1_b, bn1_g, bn1_b, fc2_W, fc2_b, bn2_g, bn2_b,
              fc3_W, fc3_b)
    return x.reshape(B, 4, 3)

# --- scband reference (transcript-rebuilt; emitter-appended) ---
"""Pipeline reference for scband-point-net-tunable-20117626814615 (READ-ONLY COPY).

The authoritative reference and input builder live on the scoring server;
editing this copy changes nothing except your own understanding.
"""

import jax, jax.numpy as jnp
import numpy as np

NPOINTS = (512, 256, 128)
RADII = (0.2, 0.4, 0.8)
KS = (32, 32, 32)


def fps(points, npoint):
    B, N, _ = points.shape
    def body(carry, _):
        dmin, far = carry
        c = points[jnp.arange(B), far]
        d = jnp.sum((points - c[:, None, :]) ** 2, axis=-1)
        dmin = jnp.minimum(dmin, d)
        nf = jnp.argmax(dmin, axis=-1).astype(jnp.int32)
        return (dmin, nf), far
    init = (jnp.full((B, N), 1e10, dtype=points.dtype), jnp.zeros((B,), jnp.int32))
    _, idxs = jax.lax.scan(body, init, None, length=npoint)
    return jnp.transpose(idxs)  # [B, npoint]


def set_abstraction(points, features, radius, k, npoint, W, b):
    B, N, _ = points.shape
    idx_c = fps(jax.lax.stop_gradient(points), npoint)
    new_points = points[jnp.arange(B)[:, None], idx_c]  # [B, S, 3]
    sq = jnp.sum(points ** 2, axis=-1)          # [B, N]
    sqc = jnp.sum(new_points ** 2, axis=-1)     # [B, S]
    d = sqc[:, :, None] + sq[:, None, :] - 2.0 * jnp.einsum('bsd,bnd->bsn', new_points, points)
    neg_d, knn = jax.lax.top_k(-d, k)           # knn: [B, S, k]
    knn_d = -neg_d
    # ball query semantics: neighbors outside radius fall back to nearest point
    knn = jnp.where(knn_d > radius * radius, knn[..., :1], knn)
    bidx = jnp.arange(B)[:, None, None]
    g_xyz = points[bidx, knn] - new_points[:, :, None, :]   # [B, S, k, 3]
    g_feat = features[bidx, knn]                            # [B, S, k, C_in]
    g = jnp.concatenate([g_xyz, g_feat], axis=-1)
    h = jax.nn.relu(jnp.einsum('bski,io->bsko', g, W) + b)
    new_feat = jnp.max(h, axis=2)               # [B, S, C_out]
    return new_points, new_feat


def batch_norm(x, g, b, eps=1e-5):
    m = jnp.mean(x, axis=0)
    v = jnp.var(x, axis=0)
    return (x - m) / jnp.sqrt(v + eps) * g + b


def setup_inputs(seed: int = 0) -> dict:
    key = jax.random.key(seed)
    ks = jax.random.split(key, 8)
    B, N = 16, 2048
    points = jax.random.uniform(ks[0], (B, N, 3), dtype=jnp.float32)
    def w(k, shape):
        return jax.random.normal(k, shape, dtype=jnp.float32) * 0.05
    return {
        'points': points,
        'W1': w(ks[1], (6, 64)), 'b1': jnp.zeros((64,), jnp.float32),
        'W2': w(ks[2], (67, 128)), 'b2': jnp.zeros((128,), jnp.float32),
        'W3': w(ks[3], (131, 256)), 'b3': jnp.zeros((256,), jnp.float32),
        'fc1_W': w(ks[4], (256, 256)), 'fc1_b': jnp.zeros((256,), jnp.float32),
        'bn1_g': jnp.ones((256,), jnp.float32), 'bn1_b': jnp.zeros((256,), jnp.float32),
        'fc2_W': w(ks[5], (256, 128)), 'fc2_b': jnp.zeros((128,), jnp.float32),
        'bn2_g': jnp.ones((128,), jnp.float32), 'bn2_b': jnp.zeros((128,), jnp.float32),
        'fc3_W': w(ks[6], (128, 12)), 'fc3_b': jnp.zeros((12,), jnp.float32),
    }


def reference(points, W1, b1, W2, b2, W3, b3, fc1_W, fc1_b, bn1_g, bn1_b, fc2_W, fc2_b, bn2_g, bn2_b, fc3_W, fc3_b):
    B = points.shape[0]
    p, f = points, points
    p, f = set_abstraction(p, f, RADII[0], KS[0], NPOINTS[0], W1, b1)
    p, f = set_abstraction(p, f, RADII[1], KS[1], NPOINTS[1], W2, b2)
    p, f = set_abstraction(p, f, RADII[2], KS[2], NPOINTS[2], W3, b3)
    feat = jnp.max(f, axis=1)                   # [B, ch3]
    x = jax.nn.relu(batch_norm(feat @ fc1_W + fc1_b, bn1_g, bn1_b))
    x = jax.nn.relu(batch_norm(x @ fc2_W + fc2_b, bn2_g, bn2_b))
    x = x @ fc3_W + fc3_b
    return x.reshape(B, 4, 3)

if __name__ == "__main__":
    import jax
    _d = setup_inputs()
    print(jax.jit(kernel)(*tuple(_d.values())))

</pallas_src>

<mosaic_0001>
module attributes {stable_mosaic.version = 14 : i64} {
  func.func @_fps_kernel(%arg0: i32, %arg1: memref<8x2048x3xf32, #tpu.memory_space<vmem>>, %arg2: memref<8x512x3xf32, #tpu.memory_space<vmem>>) attributes {dimension_semantics = [#tpu.dimension_semantics<arbitrary>], iteration_bounds = array<i64: 2>, scalar_prefetch = 0 : i64, scratch_operands = 0 : i64, tpu.core_type = #tpu.core_type<tc>, window_params = [{transform_indices = @transform_0, window_bounds = array<i64: 8, 2048, 3>}, {transform_indices = @transform_1, window_bounds = array<i64: 8, 512, 3>}]} {
    %get3A = arith.constant 0 : index
    %get3A_0 = arith.constant 0 : index
    %get3A_1 = arith.constant 0 : index
    %get3A_2 = vector.load %arg1[%get3A, %get3A_0, %get3A_1] : memref<8x2048x3xf32, #tpu.memory_space<vmem>>, vector<8x2048x3xf32>
    %iota3A = tpu.iota {dimensions = array<i32: 1>} : vector<8x2048xi32>
    %broadcast_in_dim3A = arith.constant 1.000000e+10 : f32
    %broadcast_in_dim3A_3 = vector.broadcast %broadcast_in_dim3A : f32 to vector<8x2048xf32>
    %broadcast_in_dim3A_4 = arith.constant 0 : i32
    %broadcast_in_dim3A_5 = vector.broadcast %broadcast_in_dim3A_4 : i32 to vector<8xi32>
    %scan3A = arith.constant 0 : i32
    %scan3A_6 = arith.constant 512 : i32
    %scan3A_7 = arith.addi %scan3A, %scan3A_6 : i32
    %scan3A_8 = arith.constant 1 : i32
    %scan3A_9:2 = scf.for %scan3A_11 = %scan3A to %scan3A_7 step %scan3A_8 iter_args(%scan3A_12 = %broadcast_in_dim3A_3, %scan3A_13 = %broadcast_in_dim3A_5) -> (vector<8x2048xf32>, vector<8xi32>)  : i32 {
      %broadcast_in_dim3A_14 = vector.shape_cast %scan3A_13 : vector<8xi32> to vector<8x1xi32>
      %eq3A = vector.broadcast %broadcast_in_dim3A_14 : vector<8x1xi32> to vector<8x2048xi32>
      %eq3A_15 = arith.cmpi eq, %iota3A, %eq3A : vector<8x2048xi32>
      %convert_element_type3A = arith.extui %eq3A_15 : vector<8x2048xi1> to vector<8x2048xi32>
      %convert_element_type3A_16 = arith.sitofp %convert_element_type3A : vector<8x2048xi32> to vector<8x2048xf32>
      %broadcast_in_dim3A_17 = vector.shape_cast %convert_element_type3A_16 : vector<8x2048xf32> to vector<8x2048x1xf32>
      %mul3A = vector.broadcast %broadcast_in_dim3A_17 : vector<8x2048x1xf32> to vector<8x2048x3xf32>
      %mul3A_18 = arith.mulf %get3A_2, %mul3A : vector<8x2048x3xf32>
      %reduce_sum3A = arith.constant dense<0.000000e+00> : vector<8x3xf32>
      %reduce_sum3A_19 = vector.multi_reduction <add>, %mul3A_18, %reduce_sum3A [1] : vector<8x2048x3xf32> to vector<8x3xf32>
      %broadcast_in_dim3A_20 = vector.shape_cast %reduce_sum3A_19 : vector<8x3xf32> to vector<8x1x3xf32>
      %swap3A = arith.constant 0 : index
      %swap3A_21 = arith.index_cast %scan3A_11 : i32 to index
      %swap3A_22 = arith.constant 0 : index
      %swap3A_23 = vector.load %arg2[%swap3A, %swap3A_21, %swap3A_22] : memref<8x512x3xf32, #tpu.memory_space<vmem>>, vector<8x1x3xf32>
      tpu.vector_store %arg2[%swap3A, %swap3A_21, %swap3A_22], %broadcast_in_dim3A_20 {strides = array<i32>} : memref<8x512x3xf32, #tpu.memory_space<vmem>>, vector<8x1x3xf32>,
      %broadcast_in_dim3A_24 = vector.shape_cast %reduce_sum3A_19 : vector<8x3xf32> to vector<8x1x3xf32>
      %sub3A = vector.broadcast %broadcast_in_dim3A_24 : vector<8x1x3xf32> to vector<8x2048x3xf32>
      %sub3A_25 = arith.subf %get3A_2, %sub3A : vector<8x2048x3xf32>
      %integer_pow3A = arith.mulf %sub3A_25, %sub3A_25 : vector<8x2048x3xf32>
      %reduce_sum3A_26 = arith.constant dense<0.000000e+00> : vector<8x2048xf32>
      %reduce_sum3A_27 = vector.multi_reduction <add>, %integer_pow3A, %reduce_sum3A_26 [2] : vector<8x2048x3xf32> to vector<8x2048xf32>
      %min3A = arith.minimumf %scan3A_12, %reduce_sum3A_27 : vector<8x2048xf32>
      %reduce_max3A = arith.constant dense<0xFF800000> : vector<8xf32>
      %reduce_max3A_28 = vector.multi_reduction <maximumf>, %min3A, %reduce_max3A [1] : vector<8x2048xf32> to vector<8xf32>
      %broadcast_in_dim3A_29 = vector.shape_cast %reduce_max3A_28 : vector<8xf32> to vector<8x1xf32>
      %eq3A_30 = vector.broadcast %broadcast_in_dim3A_29 : vector<8x1xf32> to vector<8x2048xf32>
      %eq3A_31 = arith.cmpf oeq, %min3A, %eq3A_30 : vector<8x2048xf32>
      %jit3A = arith.constant 2048 : i32
      %broadcast_in_dim3A_32 = vector.broadcast %jit3A : i32 to vector<8x2048xi32>
      %select_n3A = arith.select %eq3A_31, %iota3A, %broadcast_in_dim3A_32 : vector<8x2048xi1>, vector<8x2048xi32>
      %reduce_min3A = arith.constant dense<2147483647> : vector<8xi32>
      %reduce_min3A_33 = vector.multi_reduction <minsi>, %select_n3A, %reduce_min3A [1] : vector<8x2048xi32> to vector<8xi32>
      scf.yield %min3A, %reduce_min3A_33 : vector<8x2048xf32>, vector<8xi32>
    }
    %scan3A_10 = arith.constant 512 : i32
    return
  }
  func.func @transform_0(%arg0: i32) -> (i32, i32, i32) {
    %c0_i32 = arith.constant 0 : i32
    %c0_i32_0 = arith.constant 0 : i32
    %c0_i32_1 = arith.constant 0 : i32
    return %arg0, %c0_i32, %c0_i32_0 : i32, i32, i32
  }
  func.func @transform_1(%arg0: i32) -> (i32, i32, i32) {
    %c0_i32 = arith.constant 0 : i32
    %c0_i32_0 = arith.constant 0 : i32
    %c0_i32_1 = arith.constant 0 : i32
    return %arg0, %c0_i32, %c0_i32_0 : i32, i32, i32
  }
}

module attributes {stable_mosaic.version = 14 : i64} {
  func.func @_fps_kernel(%arg0: i32, %arg1: memref<8x512x3xf32, #tpu.memory_space<vmem>>, %arg2: memref<8x256x3xf32, #tpu.memory_space<vmem>>) attributes {dimension_semantics = [#tpu.dimension_semantics<arbitrary>], iteration_bounds = array<i64: 2>, scalar_prefetch = 0 : i64, scratch_operands = 0 : i64, tpu.core_type = #tpu.core_type<tc>, window_params = [{transform_indices = @transform_0, window_bounds = array<i64: 8, 512, 3>}, {transform_indices = @transform_1, window_bounds = array<i64: 8, 256, 3>}]} {
    %get3A = arith.constant 0 : index
    %get3A_0 = arith.constant 0 : index
    %get3A_1 = arith.constant 0 : index
    %get3A_2 = vector.load %arg1[%get3A, %get3A_0, %get3A_1] : memref<8x512x3xf32, #tpu.memory_space<vmem>>, vector<8x512x3xf32>
    %iota3A = tpu.iota {dimensions = array<i32: 1>} : vector<8x512xi32>
    %broadcast_in_dim3A = arith.constant 1.000000e+10 : f32
    %broadcast_in_dim3A_3 = vector.broadcast %broadcast_in_dim3A : f32 to vector<8x512xf32>
    %broadcast_in_dim3A_4 = arith.constant 0 : i32
    %broadcast_in_dim3A_5 = vector.broadcast %broadcast_in_dim3A_4 : i32 to vector<8xi32>
    %scan3A = arith.constant 0 : i32
    %scan3A_6 = arith.constant 256 : i32
    %scan3A_7 = arith.addi %scan3A, %scan3A_6 : i32
    %scan3A_8 = arith.constant 1 : i32
    %scan3A_9:2 = scf.for %scan3A_11 = %scan3A to %scan3A_7 step %scan3A_8 iter_args(%scan3A_12 = %broadcast_in_dim3A_3, %scan3A_13 = %broadcast_in_dim3A_5) -> (vector<8x512xf32>, vector<8xi32>)  : i32 {
      %broadcast_in_dim3A_14 = vector.shape_cast %scan3A_13 : vector<8xi32> to vector<8x1xi32>
      %eq3A = vector.broadcast %broadcast_in_dim3A_14 : vector<8x1xi32> to vector<8x512xi32>
      %eq3A_15 = arith.cmpi eq, %iota3A, %eq3A : vector<8x512xi32>
      %convert_element_type3A = arith.extui %eq3A_15 : vector<8x512xi1> to vector<8x512xi32>
      %convert_element_type3A_16 = arith.sitofp %convert_element_type3A : vector<8x512xi32> to vector<8x512xf32>
      %broadcast_in_dim3A_17 = vector.shape_cast %convert_element_type3A_16 : vector<8x512xf32> to vector<8x512x1xf32>
      %mul3A = vector.broadcast %broadcast_in_dim3A_17 : vector<8x512x1xf32> to vector<8x512x3xf32>
      %mul3A_18 = arith.mulf %get3A_2, %mul3A : vector<8x512x3xf32>
      %reduce_sum3A = arith.constant dense<0.000000e+00> : vector<8x3xf32>
      %reduce_sum3A_19 = vector.multi_reduction <add>, %mul3A_18, %reduce_sum3A [1] : vector<8x512x3xf32> to vector<8x3xf32>
      %broadcast_in_dim3A_20 = vector.shape_cast %reduce_sum3A_19 : vector<8x3xf32> to vector<8x1x3xf32>
      %swap3A = arith.constant 0 : index
      %swap3A_21 = arith.index_cast %scan3A_11 : i32 to index
      %swap3A_22 = arith.constant 0 : index
      %swap3A_23 = vector.load %arg2[%swap3A, %swap3A_21, %swap3A_22] : memref<8x256x3xf32, #tpu.memory_space<vmem>>, vector<8x1x3xf32>
      tpu.vector_store %arg2[%swap3A, %swap3A_21, %swap3A_22], %broadcast_in_dim3A_20 {strides = array<i32>} : memref<8x256x3xf32, #tpu.memory_space<vmem>>, vector<8x1x3xf32>,
      %broadcast_in_dim3A_24 = vector.shape_cast %reduce_sum3A_19 : vector<8x3xf32> to vector<8x1x3xf32>
      %sub3A = vector.broadcast %broadcast_in_dim3A_24 : vector<8x1x3xf32> to vector<8x512x3xf32>
      %sub3A_25 = arith.subf %get3A_2, %sub3A : vector<8x512x3xf32>
      %integer_pow3A = arith.mulf %sub3A_25, %sub3A_25 : vector<8x512x3xf32>
      %reduce_sum3A_26 = arith.constant dense<0.000000e+00> : vector<8x512xf32>
      %reduce_sum3A_27 = vector.multi_reduction <add>, %integer_pow3A, %reduce_sum3A_26 [2] : vector<8x512x3xf32> to vector<8x512xf32>
      %min3A = arith.minimumf %scan3A_12, %reduce_sum3A_27 : vector<8x512xf32>
      %reduce_max3A = arith.constant dense<0xFF800000> : vector<8xf32>
      %reduce_max3A_28 = vector.multi_reduction <maximumf>, %min3A, %reduce_max3A [1] : vector<8x512xf32> to vector<8xf32>
      %broadcast_in_dim3A_29 = vector.shape_cast %reduce_max3A_28 : vector<8xf32> to vector<8x1xf32>
      %eq3A_30 = vector.broadcast %broadcast_in_dim3A_29 : vector<8x1xf32> to vector<8x512xf32>
      %eq3A_31 = arith.cmpf oeq, %min3A, %eq3A_30 : vector<8x512xf32>
      %jit3A = arith.constant 512 : i32
      %broadcast_in_dim3A_32 = vector.broadcast %jit3A : i32 to vector<8x512xi32>
      %select_n3A = arith.select %eq3A_31, %iota3A, %broadcast_in_dim3A_32 : vector<8x512xi1>, vector<8x512xi32>
      %reduce_min3A = arith.constant dense<2147483647> : vector<8xi32>
      %reduce_min3A_33 = vector.multi_reduction <minsi>, %select_n3A, %reduce_min3A [1] : vector<8x512xi32> to vector<8xi32>
      scf.yield %min3A, %reduce_min3A_33 : vector<8x512xf32>, vector<8xi32>
    }
    %scan3A_10 = arith.constant 256 : i32
    return
  }
  func.func @transform_0(%arg0: i32) -> (i32, i32, i32) {
    %c0_i32 = arith.constant 0 : i32
    %c0_i32_0 = arith.constant 0 : i32
    %c0_i32_1 = arith.constant 0 : i32
    return %arg0, %c0_i32, %c0_i32_0 : i32, i32, i32
  }
  func.func @transform_1(%arg0: i32) -> (i32, i32, i32) {
    %c0_i32 = arith.constant 0 : i32
    %c0_i32_0 = arith.constant 0 : i32
    %c0_i32_1 = arith.constant 0 : i32
    return %arg0, %c0_i32, %c0_i32_0 : i32, i32, i32
  }
}

module attributes {stable_mosaic.version = 14 : i64} {
  func.func @_fps_kernel(%arg0: i32, %arg1: memref<8x256x3xf32, #tpu.memory_space<vmem>>, %arg2: memref<8x128x3xf32, #tpu.memory_space<vmem>>) attributes {dimension_semantics = [#tpu.dimension_semantics<arbitrary>], iteration_bounds = array<i64: 2>, scalar_prefetch = 0 : i64, scratch_operands = 0 : i64, tpu.core_type = #tpu.core_type<tc>, window_params = [{transform_indices = @transform_0, window_bounds = array<i64: 8, 256, 3>}, {transform_indices = @transform_1, window_bounds = array<i64: 8, 128, 3>}]} {
    %get3A = arith.constant 0 : index
    %get3A_0 = arith.constant 0 : index
    %get3A_1 = arith.constant 0 : index
    %get3A_2 = vector.load %arg1[%get3A, %get3A_0, %get3A_1] : memref<8x256x3xf32, #tpu.memory_space<vmem>>, vector<8x256x3xf32>
    %iota3A = tpu.iota {dimensions = array<i32: 1>} : vector<8x256xi32>
    %broadcast_in_dim3A = arith.constant 1.000000e+10 : f32
    %broadcast_in_dim3A_3 = vector.broadcast %broadcast_in_dim3A : f32 to vector<8x256xf32>
    %broadcast_in_dim3A_4 = arith.constant 0 : i32
    %broadcast_in_dim3A_5 = vector.broadcast %broadcast_in_dim3A_4 : i32 to vector<8xi32>
    %scan3A = arith.constant 0 : i32
    %scan3A_6 = arith.constant 128 : i32
    %scan3A_7 = arith.addi %scan3A, %scan3A_6 : i32
    %scan3A_8 = arith.constant 1 : i32
    %scan3A_9:2 = scf.for %scan3A_11 = %scan3A to %scan3A_7 step %scan3A_8 iter_args(%scan3A_12 = %broadcast_in_dim3A_3, %scan3A_13 = %broadcast_in_dim3A_5) -> (vector<8x256xf32>, vector<8xi32>)  : i32 {
      %broadcast_in_dim3A_14 = vector.shape_cast %scan3A_13 : vector<8xi32> to vector<8x1xi32>
      %eq3A = vector.broadcast %broadcast_in_dim3A_14 : vector<8x1xi32> to vector<8x256xi32>
      %eq3A_15 = arith.cmpi eq, %iota3A, %eq3A : vector<8x256xi32>
      %convert_element_type3A = arith.extui %eq3A_15 : vector<8x256xi1> to vector<8x256xi32>
      %convert_element_type3A_16 = arith.sitofp %convert_element_type3A : vector<8x256xi32> to vector<8x256xf32>
      %broadcast_in_dim3A_17 = vector.shape_cast %convert_element_type3A_16 : vector<8x256xf32> to vector<8x256x1xf32>
      %mul3A = vector.broadcast %broadcast_in_dim3A_17 : vector<8x256x1xf32> to vector<8x256x3xf32>
      %mul3A_18 = arith.mulf %get3A_2, %mul3A : vector<8x256x3xf32>
      %reduce_sum3A = arith.constant dense<0.000000e+00> : vector<8x3xf32>
      %reduce_sum3A_19 = vector.multi_reduction <add>, %mul3A_18, %reduce_sum3A [1] : vector<8x256x3xf32> to vector<8x3xf32>
      %broadcast_in_dim3A_20 = vector.shape_cast %reduce_sum3A_19 : vector<8x3xf32> to vector<8x1x3xf32>
      %swap3A = arith.constant 0 : index
      %swap3A_21 = arith.index_cast %scan3A_11 : i32 to index
      %swap3A_22 = arith.constant 0 : index
      %swap3A_23 = vector.load %arg2[%swap3A, %swap3A_21, %swap3A_22] : memref<8x128x3xf32, #tpu.memory_space<vmem>>, vector<8x1x3xf32>
      tpu.vector_store %arg2[%swap3A, %swap3A_21, %swap3A_22], %broadcast_in_dim3A_20 {strides = array<i32>} : memref<8x128x3xf32, #tpu.memory_space<vmem>>, vector<8x1x3xf32>,
      %broadcast_in_dim3A_24 = vector.shape_cast %reduce_sum3A_19 : vector<8x3xf32> to vector<8x1x3xf32>
      %sub3A = vector.broadcast %broadcast_in_dim3A_24 : vector<8x1x3xf32> to vector<8x256x3xf32>
      %sub3A_25 = arith.subf %get3A_2, %sub3A : vector<8x256x3xf32>
      %integer_pow3A = arith.mulf %sub3A_25, %sub3A_25 : vector<8x256x3xf32>
      %reduce_sum3A_26 = arith.constant dense<0.000000e+00> : vector<8x256xf32>
      %reduce_sum3A_27 = vector.multi_reduction <add>, %integer_pow3A, %reduce_sum3A_26 [2] : vector<8x256x3xf32> to vector<8x256xf32>
      %min3A = arith.minimumf %scan3A_12, %reduce_sum3A_27 : vector<8x256xf32>
      %reduce_max3A = arith.constant dense<0xFF800000> : vector<8xf32>
      %reduce_max3A_28 = vector.multi_reduction <maximumf>, %min3A, %reduce_max3A [1] : vector<8x256xf32> to vector<8xf32>
      %broadcast_in_dim3A_29 = vector.shape_cast %reduce_max3A_28 : vector<8xf32> to vector<8x1xf32>
      %eq3A_30 = vector.broadcast %broadcast_in_dim3A_29 : vector<8x1xf32> to vector<8x256xf32>
      %eq3A_31 = arith.cmpf oeq, %min3A, %eq3A_30 : vector<8x256xf32>
      %jit3A = arith.constant 256 : i32
      %broadcast_in_dim3A_32 = vector.broadcast %jit3A : i32 to vector<8x256xi32>
      %select_n3A = arith.select %eq3A_31, %iota3A, %broadcast_in_dim3A_32 : vector<8x256xi1>, vector<8x256xi32>
      %reduce_min3A = arith.constant dense<2147483647> : vector<8xi32>
      %reduce_min3A_33 = vector.multi_reduction <minsi>, %select_n3A, %reduce_min3A [1] : vector<8x256xi32> to vector<8xi32>
      scf.yield %min3A, %reduce_min3A_33 : vector<8x256xf32>, vector<8xi32>
    }
    %scan3A_10 = arith.constant 128 : i32
    return
  }
  func.func @transform_0(%arg0: i32) -> (i32, i32, i32) {
    %c0_i32 = arith.constant 0 : i32
    %c0_i32_0 = arith.constant 0 : i32
    %c0_i32_1 = arith.constant 0 : i32
    return %arg0, %c0_i32, %c0_i32_0 : i32, i32, i32
  }
  func.func @transform_1(%arg0: i32) -> (i32, i32, i32) {
    %c0_i32 = arith.constant 0 : i32
    %c0_i32_0 = arith.constant 0 : i32
    %c0_i32_1 = arith.constant 0 : i32
    return %arg0, %c0_i32, %c0_i32_0 : i32, i32, i32
  }
}

module attributes {stable_mosaic.version = 14 : i64} {
  func.func @_head_kernel(%arg0: memref<16x128x256xf32, #tpu.memory_space<vmem>>, %arg1: memref<256x256xf32, #tpu.memory_space<vmem>>, %arg2: memref<1x256xf32, #tpu.memory_space<vmem>>, %arg3: memref<1x256xf32, #tpu.memory_space<vmem>>, %arg4: memref<1x256xf32, #tpu.memory_space<vmem>>, %arg5: memref<256x128xf32, #tpu.memory_space<vmem>>, %arg6: memref<1x128xf32, #tpu.memory_space<vmem>>, %arg7: memref<1x128xf32, #tpu.memory_space<vmem>>, %arg8: memref<1x128xf32, #tpu.memory_space<vmem>>, %arg9: memref<128x12xf32, #tpu.memory_space<vmem>>, %arg10: memref<1x12xf32, #tpu.memory_space<vmem>>, %arg11: memref<16x12xf32, #tpu.memory_space<vmem>>) attributes {dimension_semantics = [], scalar_prefetch = 0 : i64, scratch_operands = 0 : i64, tpu.core_type = #tpu.core_type<tc>} {
    %get3A = arith.constant 0 : index
    %get3A_0 = arith.constant 0 : index
    %get3A_1 = arith.constant 0 : index
    %get3A_2 = vector.load %arg0[%get3A, %get3A_0, %get3A_1] : memref<16x128x256xf32, #tpu.memory_space<vmem>>, vector<16x128x256xf32>
    %reduce_max3A = arith.constant dense<0xFF800000> : vector<16x256xf32>
    %reduce_max3A_3 = vector.multi_reduction <maximumf>, %get3A_2, %reduce_max3A [1] : vector<16x128x256xf32> to vector<16x256xf32>
    %get3A_4 = arith.constant 0 : index
    %get3A_5 = arith.constant 0 : index
    %get3A_6 = vector.load %arg1[%get3A_4, %get3A_5] : memref<256x256xf32, #tpu.memory_space<vmem>>, vector<256x256xf32>
    %dot_general3A = arith.constant dense<0.000000e+00> : vector<16x256xf32>
    %dot_general3A_7 = tpu.matmul %reduce_max3A_3, %get3A_6, %dot_general3A {dimension_numbers = #tpu.dot_dimension_numbers<[1], [0], [0], [1], [0, 0, 1, 1], [], []>, transpose_lhs_hint = false} : vector<16x256xf32>, vector<256x256xf32>, vector<16x256xf32> -> vector<16x256xf32>
    %get3A_8 = arith.constant 0 : index
    %get3A_9 = arith.constant 0 : index
    %get3A_10 = vector.load %arg2[%get3A_8, %get3A_9] : memref<1x256xf32, #tpu.memory_space<vmem>>, vector<1x256xf32>
    %add3A = vector.broadcast %get3A_10 : vector<1x256xf32> to vector<16x256xf32>
    %add3A_11 = arith.addf %dot_general3A_7, %add3A : vector<16x256xf32>
    %reduce_sum3A = arith.constant dense<0.000000e+00> : vector<256xf32>
    %reduce_sum3A_12 = vector.multi_reduction <add>, %add3A_11, %reduce_sum3A [0] : vector<16x256xf32> to vector<256xf32>
    %div3A = arith.constant 1.600000e+01 : f32
    %div3A_13 = vector.broadcast %div3A : f32 to vector<256xf32>
    %div3A_14 = arith.divf %reduce_sum3A_12, %div3A_13 : vector<256xf32>
    %jit3A = arith.constant 0 : i32
    %reduce_sum3A_15 = arith.constant dense<0.000000e+00> : vector<256xf32>
    %reduce_sum3A_16 = vector.multi_reduction <add>, %add3A_11, %reduce_sum3A_15 [0] : vector<16x256xf32> to vector<256xf32>
    %broadcast_in_dim3A = vector.shape_cast %reduce_sum3A_16 : vector<256xf32> to vector<1x256xf32>
    %div3A_17 = arith.constant 1.600000e+01 : f32
    %div3A_18 = vector.broadcast %div3A_17 : f32 to vector<1x256xf32>
    %div3A_19 = arith.divf %broadcast_in_dim3A, %div3A_18 : vector<1x256xf32>
    %sub3A = vector.broadcast %div3A_19 : vector<1x256xf32> to vector<16x256xf32>
    %sub3A_20 = arith.subf %add3A_11, %sub3A : vector<16x256xf32>
    %square3A = arith.mulf %sub3A_20, %sub3A_20 : vector<16x256xf32>
    %convert_element_type3A = arith.sitofp %jit3A : i32 to f32
    %sub3A_21 = arith.constant 1.600000e+01 : f32
    %sub3A_22 = arith.subf %sub3A_21, %convert_element_type3A : f32
    %reduce_sum3A_23 = arith.constant dense<0.000000e+00> : vector<256xf32>
    %reduce_sum3A_24 = vector.multi_reduction <add>, %square3A, %reduce_sum3A_23 [0] : vector<16x256xf32> to vector<256xf32>
    %div3A_25 = vector.broadcast %sub3A_22 : f32 to vector<256xf32>
    %div3A_26 = arith.divf %reduce_sum3A_24, %div3A_25 : vector<256xf32>
    %gt3A = arith.constant 0.000000e+00 : f32
    %gt3A_27 = arith.cmpf ogt, %sub3A_22, %gt3A : f32
    %jit3A_28 = arith.constant 0x7FC00000 : f32
    %broadcast_in_dim3A_29 = vector.broadcast %jit3A_28 : f32 to vector<256xf32>
    %select_n3A = arith.select %gt3A_27, %div3A_26, %broadcast_in_dim3A_29 : vector<256xf32>
    %broadcast_in_dim3A_30 = vector.shape_cast %div3A_14 : vector<256xf32> to vector<1x256xf32>
    %sub3A_31 = vector.broadcast %broadcast_in_dim3A_30 : vector<1x256xf32> to vector<16x256xf32>
    %sub3A_32 = arith.subf %add3A_11, %sub3A_31 : vector<16x256xf32>
    %add3A_33 = arith.constant 9.99999974E-6 : f32
    %add3A_34 = vector.broadcast %add3A_33 : f32 to vector<256xf32>
    %add3A_35 = arith.addf %select_n3A, %add3A_34 : vector<256xf32>
    %sqrt3A = math.sqrt %add3A_35 : vector<256xf32>
    %broadcast_in_dim3A_36 = vector.shape_cast %sqrt3A : vector<256xf32> to vector<1x256xf32>
    %div3A_37 = vector.broadcast %broadcast_in_dim3A_36 : vector<1x256xf32> to vector<16x256xf32>
    %div3A_38 = arith.divf %sub3A_32, %div3A_37 : vector<16x256xf32>
    %get3A_39 = arith.constant 0 : index
    %get3A_40 = arith.constant 0 : index
    %get3A_41 = vector.load %arg3[%get3A_39, %get3A_40] : memref<1x256xf32, #tpu.memory_space<vmem>>, vector<1x256xf32>
    %mul3A = vector.broadcast %get3A_41 : vector<1x256xf32> to vector<16x256xf32>
    %mul3A_42 = arith.mulf %div3A_38, %mul3A : vector<16x256xf32>
    %get3A_43 = arith.constant 0 : index
    %get3A_44 = arith.constant 0 : index
    %get3A_45 = vector.load %arg4[%get3A_43, %get3A_44] : memref<1x256xf32, #tpu.memory_space<vmem>>, vector<1x256xf32>
    %add3A_46 = vector.broadcast %get3A_45 : vector<1x256xf32> to vector<16x256xf32>
    %add3A_47 = arith.addf %mul3A_42, %add3A_46 : vector<16x256xf32>
    %max3A = arith.constant 0.000000e+00 : f32
    %max3A_48 = vector.broadcast %max3A : f32 to vector<16x256xf32>
    %max3A_49 = arith.maximumf %add3A_47, %max3A_48 : vector<16x256xf32>
    %get3A_50 = arith.constant 0 : index
    %get3A_51 = arith.constant 0 : index
    %get3A_52 = vector.load %arg5[%get3A_50, %get3A_51] : memref<256x128xf32, #tpu.memory_space<vmem>>, vector<256x128xf32>
    %dot_general3A_53 = arith.constant dense<0.000000e+00> : vector<16x128xf32>
    %dot_general3A_54 = tpu.matmul %max3A_49, %get3A_52, %dot_general3A_53 {dimension_numbers = #tpu.dot_dimension_numbers<[1], [0], [0], [1], [0, 0, 1, 1], [], []>, transpose_lhs_hint = false} : vector<16x256xf32>, vector<256x128xf32>, vector<16x128xf32> -> vector<16x128xf32>
    %get3A_55 = arith.constant 0 : index
    %get3A_56 = arith.constant 0 : index
    %get3A_57 = vector.load %arg6[%get3A_55, %get3A_56] : memref<1x128xf32, #tpu.memory_space<vmem>>, vector<1x128xf32>
    %add3A_58 = vector.broadcast %get3A_57 : vector<1x128xf32> to vector<16x128xf32>
    %add3A_59 = arith.addf %dot_general3A_54, %add3A_58 : vector<16x128xf32>
    %reduce_sum3A_60 = arith.constant dense<0.000000e+00> : vector<128xf32>
    %reduce_sum3A_61 = vector.multi_reduction <add>, %add3A_59, %reduce_sum3A_60 [0] : vector<16x128xf32> to vector<128xf32>
    %div3A_62 = arith.constant 1.600000e+01 : f32
    %div3A_63 = vector.broadcast %div3A_62 : f32 to vector<128xf32>
    %div3A_64 = arith.divf %reduce_sum3A_61, %div3A_63 : vector<128xf32>
    %jit3A_65 = arith.constant 0 : i32
    %reduce_sum3A_66 = arith.constant dense<0.000000e+00> : vector<128xf32>
    %reduce_sum3A_67 = vector.multi_reduction <add>, %add3A_59, %reduce_sum3A_66 [0] : vector<16x128xf32> to vector<128xf32>
    %broadcast_in_dim3A_68 = vector.shape_cast %reduce_sum3A_67 : vector<128xf32> to vector<1x128xf32>
    %div3A_69 = arith.constant 1.600000e+01 : f32
    %div3A_70 = vector.broadcast %div3A_69 : f32 to vector<1x128xf32>
    %div3A_71 = arith.divf %broadcast_in_dim3A_68, %div3A_70 : vector<1x128xf32>
    %sub3A_72 = vector.broadcast %div3A_71 : vector<1x128xf32> to vector<16x128xf32>
    %sub3A_73 = arith.subf %add3A_59, %sub3A_72 : vector<16x128xf32>
    %square3A_74 = arith.mulf %sub3A_73, %sub3A_73 : vector<16x128xf32>
    %convert_element_type3A_75 = arith.sitofp %jit3A_65 : i32 to f32
    %sub3A_76 = arith.constant 1.600000e+01 : f32
    %sub3A_77 = arith.subf %sub3A_76, %convert_element_type3A_75 : f32
    %reduce_sum3A_78 = arith.constant dense<0.000000e+00> : vector<128xf32>
    %reduce_sum3A_79 = vector.multi_reduction <add>, %square3A_74, %reduce_sum3A_78 [0] : vector<16x128xf32> to vector<128xf32>
    %div3A_80 = vector.broadcast %sub3A_77 : f32 to vector<128xf32>
    %div3A_81 = arith.divf %reduce_sum3A_79, %div3A_80 : vector<128xf32>
    %gt3A_82 = arith.constant 0.000000e+00 : f32
    %gt3A_83 = arith.cmpf ogt, %sub3A_77, %gt3A_82 : f32
    %jit3A_84 = arith.constant 0x7FC00000 : f32
    %broadcast_in_dim3A_85 = vector.broadcast %jit3A_84 : f32 to vector<128xf32>
    %select_n3A_86 = arith.select %gt3A_83, %div3A_81, %broadcast_in_dim3A_85 : vector<128xf32>
    %broadcast_in_dim3A_87 = vector.shape_cast %div3A_64 : vector<128xf32> to vector<1x128xf32>
    %sub3A_88 = vector.broadcast %broadcast_in_dim3A_87 : vector<1x128xf32> to vector<16x128xf32>
    %sub3A_89 = arith.subf %add3A_59, %sub3A_88 : vector<16x128xf32>
    %add3A_90 = arith.constant 9.99999974E-6 : f32
    %add3A_91 = vector.broadcast %add3A_90 : f32 to vector<128xf32>
    %add3A_92 = arith.addf %select_n3A_86, %add3A_91 : vector<128xf32>
    %sqrt3A_93 = math.sqrt %add3A_92 : vector<128xf32>
    %broadcast_in_dim3A_94 = vector.shape_cast %sqrt3A_93 : vector<128xf32> to vector<1x128xf32>
    %div3A_95 = vector.broadcast %broadcast_in_dim3A_94 : vector<1x128xf32> to vector<16x128xf32>
    %div3A_96 = arith.divf %sub3A_89, %div3A_95 : vector<16x128xf32>
    %get3A_97 = arith.constant 0 : index
    %get3A_98 = arith.constant 0 : index
    %get3A_99 = vector.load %arg7[%get3A_97, %get3A_98] : memref<1x128xf32, #tpu.memory_space<vmem>>, vector<1x128xf32>
    %mul3A_100 = vector.broadcast %get3A_99 : vector<1x128xf32> to vector<16x128xf32>
    %mul3A_101 = arith.mulf %div3A_96, %mul3A_100 : vector<16x128xf32>
    %get3A_102 = arith.constant 0 : index
    %get3A_103 = arith.constant 0 : index
    %get3A_104 = vector.load %arg8[%get3A_102, %get3A_103] : memref<1x128xf32, #tpu.memory_space<vmem>>, vector<1x128xf32>
    %add3A_105 = vector.broadcast %get3A_104 : vector<1x128xf32> to vector<16x128xf32>
    %add3A_106 = arith.addf %mul3A_101, %add3A_105 : vector<16x128xf32>
    %max3A_107 = arith.constant 0.000000e+00 : f32
    %max3A_108 = vector.broadcast %max3A_107 : f32 to vector<16x128xf32>
    %max3A_109 = arith.maximumf %add3A_106, %max3A_108 : vector<16x128xf32>
    %get3A_110 = arith.constant 0 : index
    %get3A_111 = arith.constant 0 : index
    %get3A_112 = vector.load %arg9[%get3A_110, %get3A_111] : memref<128x12xf32, #tpu.memory_space<vmem>>, vector<128x12xf32>
    %dot_general3A_113 = arith.constant dense<0.000000e+00> : vector<16x12xf32>
    %dot_general3A_114 = tpu.matmul %max3A_109, %get3A_112, %dot_general3A_113 {dimension_numbers = #tpu.dot_dimension_numbers<[1], [0], [0], [1], [0, 0, 1, 1], [], []>, transpose_lhs_hint = false} : vector<16x128xf32>, vector<128x12xf32>, vector<16x12xf32> -> vector<16x12xf32>
    %get3A_115 = arith.constant 0 : index
    %get3A_116 = arith.constant 0 : index
    %get3A_117 = vector.load %arg10[%get3A_115, %get3A_116] : memref<1x12xf32, #tpu.memory_space<vmem>>, vector<1x12xf32>
    %add3A_118 = vector.broadcast %get3A_117 : vector<1x12xf32> to vector<16x12xf32>
    %add3A_119 = arith.addf %dot_general3A_114, %add3A_118 : vector<16x12xf32>
    %swap3A = arith.constant 0 : index
    %swap3A_120 = arith.constant 0 : index
    %swap3A_121 = vector.load %arg11[%swap3A, %swap3A_120] : memref<16x12xf32, #tpu.memory_space<vmem>>, vector<16x12xf32>
    tpu.vector_store %arg11[%swap3A, %swap3A_120], %add3A_119 {strides = array<i32>} : memref<16x12xf32, #tpu.memory_space<vmem>>, vector<16x12xf32>,
    return
  }
}

</mosaic_0001>

<sc_bundles>
// kernel: sparse-core-data-format-call.cloned.1.call-start
scs
called_computation_lowered:
.L_overlay_start_0:
0x0: {  	s1 =	sld [smem:$0x3FD9]  }
0x1: {  	s2 =	sld [smem:$0x3FFE];
	_ =	sdelay $0x1  }
0x2: {  	s3 =	srdreg.scid  }
0x3: {  	s0 =	sand.u32 $0x1, s3  }
0x4: {  	s17 =	sshll.u32 s0, $0xA;
	s1 =	sadd.s32 s2, s1  }
0x5: {  	s1 =	sadd.s32 s1, s17  }
0x6: {  	[smem:$0x3FB7] =	sst s1  }
0x7: {  	_ = 	snop  }
0x8: {  	(tm) =	ssettm $0x1  }
0x9: {  	s18 =	sld [smem:$0x3FFB];
	_ =	sdelay $0x3  }
0xa: {  	_ =	strace s18  }
0xb: {  	s1 =	sld [smem:$0x3FFC];
	_ =	sdelay $0x3  }
0xc: {  	_ =	strace s1  }
0xd: {  	s1 =	sld [smem:$0x3FFD];
	_ =	sdelay $0x3  }
0xe: {  	_ =	strace s1  }
0xf: {  	_ =	strace $0x8FFFFFFF  }
0x10: {  	s19 =	sld [smem:$0x3FDB];
	_ =	sdelay $0x1  }
0x11: {  	s20 =	simm.s32 $_scs_section_size  }
0x12: {  	s4 =	simm.s32 $_size__tile_overlayer_lowered;
	s5 =	simm.s32 $_tile_overlayer_lowered  }
0x13: {  	s23 =	simm.s32 $0x1BFF;
	s22 =	sshll.u32 s5, $0x1;
	s1 =	sadd.s32 s20, s19  }
0x14: {  	s6 =	simm.s32 $0x0;
	s21 =	sshll.u32 s4, $0x1;
	s4 =	sadd.s32 s22, s1  }
0x15: {  	[timem:s6], [sflag:s23] =	dma.local [hbm:s4], s21  }
0x16: {  	_ =	swait.ge [sflag:s23], s21  }
0x17: {  	s2 =	ssub.s32 $0x0, s21;
	[sflag:s23] =	ssyncset.done $0x0  }
0x18: {  	[sflag:s23] =	ssyncadd.s32 s2;
	_ =	sdelay $0x1  }
0x19: {  	s24 =	simm.s32 $0x1B8B  }
0x1a: {  	_ =	swait.ge [sflag:s24], $0x1  }
0x1b: {  	[sflag:s24] =	ssyncset.done $0x0  }
0x1c: {  	s26 =	simm.s32 $0x1B8E;
	s25 =	sld [smem:$0x3FFE];
	[sflag:s24] =	ssyncadd.s32 $0xFFFFFFFF  }
0x1d: {  	s27 =	simm.s32 $execute0_lowered;
	[smem:$0x3FD2] =	sst s26  }
0x1e: {  	s4 =	sshll.u32 s27, $0x1;
	_ =	strace $0x80000046;
	[dreg:$0x1] =	wrdreg $0xFFFFFFFF  }
0x1f: {  	s28 =	simm.s32 $_size_execute0_lowered;
	s1 =	sadd.s32 s1, s4;
	[dreg:$0x0] =	wrdreg $0x0  }
0x20: {  	s4 =	sshll.u32 s28, $0x1;
	[dreg:$0x2] =	wrdreg s1  }
0x21: {  	[dreg:$0x3] =	wrdreg s4  }
0x22: {  	[dreg:$0x4] =	wrdreg $0xC0  }
0x23: {  	_ =	task [dreg:s6], $0x5FFFF  }
0x24: {  	[dreg:$0x1] =	wrdreg $0xFFFFFFFF  }
0x25: {  	[dreg:$0x0] =	wrdreg $0x60  }
0x26: {  	[dreg:$0x2] =	wrdreg s25  }
0x27: {  	[dreg:$0x3] =	wrdreg $0x9  }
0x28: {  	_ =	task.clear_ibuf [dreg:s6], $0x4FFFF;
	_ =	strace $0x90000046  }
0x29: {  	s29 =	simm.s32 $0x9;
	_ =	strace $0x80000048  }
0x2a: {  	_ =	swait.ge [sflag:s29], $0x1  }
0x2b: {  	[sflag:s29] =	ssyncadd.s32 $0xFFFFFFFF  }
0x2c: {  	_ =	strace $0x90000048  }
0x2d: {  	_ =	sfence  }
0x2e: {  	s30 =	sld [smem:$0x0];
	_ =	sdelay $0x2  }
0x2f: {  	s31 =	sshll.u32 s3, $0xD;
	s3 =	sshrl.u32 s3, $0x2  }
0x30: {  	s2 =	sand.u32 $0x4000, s31;
	s1 =	sadd.s32 s3, s30  }
0x31: {  	s0 =	sor.u32 s2, s0;
	s1 =	sshll.u32 s1, $0x11  }
0x32: {  	s0 =	sor.u32 s1, s0  }
0x33: {  	s0 =	sadd.s32 $0x8F2B, s0  }
0x34: {  	[sflag:s0] =	ssyncadd.remote.s32 $0x1  }
0x35: {  	_ =	sfence.sel $0xFFFF  }
0x36: {  	[dreg:$0x0] =	wrdreg $0xFFFFFFFF;
	(pc) =	sbr.abs _section_cstart, $3  }
0x37: {  	[dreg:$0x1] =	wrdreg $0xFFFFFFFF  }
0x38: {  	_ =	task.clear_ibuf [dreg:s6], $0x2FFFF;
	_ =	strace $0x9FFFFFFF  }
0x39: {  	(tm) =	ssettm $0x7FFFFFFF  }
tec
execute0_lowered:
.L_overlay_start_1:
0x0: {  	(tag) =	ssettag $0x1  }
0x1: {  	s0 =	srdreg.scid;
	s3 =	rddreg [dreg:$0x0];
	s5 =	simm.s32 $0x1  }
0x2: {  	s7 =	simm.s32 $0x2;
	s15 =	simm.s32 $0x0;
	p0 =	por $0x0, $0x0  }
0x3: {  	s8 =	simm.s32 $0x1000;
	s13 =	simm.s32 $0x0;
	s1 =	sshll.u32 s0, $0x7  }
0x4: {  	s14 =	simm.s32 $0x0;
	s9 =	simm.s32 $0x0;
	s1 =	sand.u32 $0x80, s1  }
0x5: {  	s0 =	rddreg [dreg:$0x1];
	_ =	strace $0x80000047;
	s6 =	ssub.s32 $0x200, s1  }
.Ltmp0:
0x6: {  	s2 =	sadd.s32 $0x80000, s3;
	s31 =	sshrl.u32 s6, $0x7;
	(pc) =	sbr.rel .LBB1_1-.Ltmp0, $4  }
0x7: {  	s4 =	sadd.s32 $0x280000, s3;
	s6 =	sshrl.u32 s6, $0x8;
	s3 =	sand.u32 $0x1, s31  }
0x8: {  	s11 =	stileid.u32;
	[sflag:s5] =	ssyncpa.u1 $0x0;
	s6 =	sadd.s32 s6, s3  }
0x9: {  	s12 =	simm.s32 $0x0;
	[sflag:s7] =	ssyncpa.u1 $0x0;
	s6 =	sshll.u32 s6, $0x4  }
0xa: {  	s10 =	smov.u32 s1;
	s3 =	stileid.u32;
	s7 =	sor.u32 $0x1, s6  }
.LBB1_4:
0xb: {  	v5 =	vld [tilespmem:s18+$0xFFFFFFD0];
	[tilespmem:s19+$0x2040 ss:$0x81] =	vst.msk $0xffff, v1  }
0xc: {  	v58 =	vld [tilespmem:s18+$0xFFFFFFE0];
	[tilespmem:s19+$0x2850 ss:$0x81] =	vst.msk $0xffff, v2  }
0xd: {  	s20 =	sshra.s32 s20, $0x2;
	v59 =	vld [tilespmem:s18+$0xFFFFFFF0];
	[tilespmem:s19+$0x3060 ss:$0x81] =	vst.msk $0xffff, v3  }
0xe: {  	v60 =	vld [tilespmem:s18+$0x0];
	[tilespmem:s19+$0x0 ss:$0x81] =	vst.msk $0xffff, v0;
	s17 =	sadd.s32 s20, s17  }
0xf: {  	v61 =	vld [tilespmem:s18+$0x10];
	s25 =	sshll.u32 s15, $0x9;
	[tilespmem:s17+$0x3870 ss:$0x81] =	vst.msk $0xffff, v4  }
0x10: {  	s26 =	sshll.u32 s13, $0x3;
	v62 =	vld [tilespmem:s18+$0x20];
	s27 =	sshll.u32 s15, $0x7;
	s30 =	sand.u32 $0x78, s13;
	[tilespmem:s17+$0x810 ss:$0x81] =	vst.msk $0xffff, v5  }
0x11: {  	v63 =	vld [tilespmem:s18+$0xFFFFFFC0];
	s14 =	sshll.u32 s14, $0x11;
	s19 =	sand.u32 $0xFF000, s25;
	s20 =	sand.u32 $0xFFC00, s26;
	[tilespmem:s17+$0x1020 ss:$0x81] =	vst.msk $0xffff, v58  }
0x12: {  	s29 =	sand.u32 $0x200, s27;
	s15 =	sand.u32 $0x180, s27;
	s28 =	sadd.s32 s20, s19;
	[tilespmem:s17+$0x1830 ss:$0x81] =	vst.msk $0xffff, v59  }
0x13: {  	s31 =	sand.u32 $0x7, s13;
	s15 =	sor.u32 s30, s15;
	s18 =	sor.u32 s29, s28;
	[tilespmem:s17+$0x2040 ss:$0x81] =	vst.msk $0xffff, v60  }
0x14: {  	s14 =	sadd.s32 s4, s14;
	s15 =	sshrl.u32 s15, $0x3;
	s18 =	sshrl.u32 s18, $0x3;
	[tilespmem:s17+$0x2850 ss:$0x81] =	vst.msk $0xffff, v61  }
0x15: {  	s13 =	sshll.u32 s31, $0x12;
	s14 =	sadd.s32 s15, s14;
	[tilespmem:s17+$0x3060 ss:$0x81] =	vst.msk $0xffff, v62;
	s18 =	sand.u32 $0x1FFC0, s18  }
0x16: {  	s13 =	sor.u32 $0x400, s13;
	[tilespmem:s17+$0x0 ss:$0x81] =	vst.msk $0xffff, v63;
	s14 =	sadd.s32 s18, s14  }
0x17: {  	[hbm4b:s14+s13] =	stream.strided.scatter [tilespmem:s16], [sflag:$0x2], $0x4000, s8, s13, $0x20;
	[tilespmem:$0x10100] =	vst v63  }
.LBB1_5:
0x18: {  	s16 =	sadd.s32 $0x80, s9  }
0x19: {  	s13 =	sadd.s32 $0x100, s10;
	s17 =	smov.u32 s10;
	p2 =	sgt.s32 s16, $0x7FF  }
0x1a: {  	s17 =	smov.u32 @p2 s13  }
0x1b: {  	s19 =	smov.u32 s11;
	s13 =	sadd.s32 $0x10, s11;
	p3 =	sgt.s32 s17, $0x1FF  }
0x1c: {  	s19 =	smov.u32 @p3 s13  }
0x1d: {  	s16 =	simm.s32 @p2 $0x0;
	p2 =	sgt.s32 s19, $0xF  }
0x1e: {  	p1 =	slt.u32 s12, $0x2;
	s19 =	smov.u32 @p2 s3;
	p2 =	sne.s32 s12, s7  }
.Ltmp1:
0x1f: {  	s18 =	simm.s32 @!p1 $0x2;
	(pc) =	sbr.rel @!p2 .LBB1_6-.Ltmp1, $4  }
0x20: {  	s15 =	smov.u32 s9;
	s14 =	smov.u32 s11;
	_ =	swait.ge @!p1 [sflag:s18], $0x4000  }
0x21: {  	p0 =	por !p0, !p0;
	[sflag:s18] =	ssyncset.done @!p1 $0x0;
	s9 =	smov.u32 s16  }
0x22: {  	s17 =	smov.u32 @p3 s1;
	s13 =	smov.u32 s10;
	[sflag:s18] =	ssyncadd.s32 @!p1 $0xFFFFC000  }
0x23: {  	s10 =	smov.u32 s17;
	s12 =	sadd.s32 $0x1, s12;
	s11 =	smov.u32 s19  }
.LBB1_1:
0x24: {  	p1 =	sge.u32 s12, s6;
	s31 =	sadd.s32 $0xFFFFFFFF, s12  }
0x25: {  	s16 =	sxor.u32 @!p1 $0xFFFFFFFF, s12;
	s17 =	sand.u32 @!p1 $0x78, s9;
	s18 =	sshll.u32 @!p1 s10, $0xB  }
0x26: {  	s19 =	sshll.u32 @!p1 s10, $0x7;
	s20 =	sshll.u32 @!p1 s9, $0x3;
	s16 =	sshll.u32 @!p1 s16, $0xE  }
0x27: {  	s18 =	sand.u32 @!p1 $0xFC000, s18;
	s19 =	sand.u32 @!p1 $0x380, s19;
	s16 =	sand.u32 @!p1 $0x4000, s16  }
0x28: {  	s18 =	sadd.s32 @!p1 s18, s20;
	s20 =	sand.u32 @!p1 $0x400, s20;
	s17 =	sor.u32 @!p1 s19, s17  }
0x29: {  	s19 =	sshll.u32 @!p1 s11, $0x11;
	s17 =	sor.u32 @!p1 s20, s17;
	s18 =	sshrl.u32 @!p1 s18, $0x3  }
0x2a: {  	s19 =	sadd.s32 @!p1 s2, s19;
	s20 =	sand.u32 @!p1 $0x7, s9;
	s18 =	sand.u32 @!p1 $0x1FF00, s18  }
0x2b: {  	s17 =	sshrl.u32 @!p1 s17, $0x3;
	s18 =	sadd.s32 @!p1 s18, s19;
	s19 =	sshll.u32 @!p1 s20, $0x12  }
0x2c: {  	s17 =	sadd.s32 @!p1 s17, s18;
	s18 =	sor.u32 @!p1 $0x400, s19;
	s19 =	simm.s32 @!p1 $0x4000  }
0x2d: {  	[tilespmem:s16], [sflag:$0x1] =	stream.strided.gather @!p1 [hbm4b:s17+s18], $0x4000, s19, s18, $0x38;
	[tilespmem:$0x10100] =	vst v63  }
0x2e: {  	p1 =	sge.u32 s31, s6  }
.Ltmp2:
0x2f: {  	_ = 	snop;
	(pc) =	sbr.rel @p1 .LBB1_5-.Ltmp2, $1  }
0x30: {  	_ =	sdelay $0x3  }
0x31: {  	s16 =	simm.s32 $0x1  }
0x32: {  	_ =	swait.ge [sflag:s5], $0x4000;
	s16 =	simm.s32 @!p0 $0x0  }
0x33: {  	[sflag:s5] =	ssyncset.done $0x0;
	s17 =	sshll.u32 s16, $0xE  }
0x34: {  	[sflag:s5] =	ssyncadd.s32 $0xFFFFC000;
	s18 =	sor.u32 $0x40, s17  }
0x35: {  	s16 =	smul.u32 $0x10200, s16;
	v0 =	vld [tilespmem:s18+$0x30]  }
0x36: {  	v3 =	vld [tilespmem:s18+$0xFFFFFFD0]  }
0x37: {  	s16 =	sshrl.u32 s16, $0x2;
	v4 =	vld [tilespmem:s18+$0xFFFFFFE0]  }
0x38: {  	v5 =	vld [tilespmem:s18+$0xFFFFFFF0];
	s17 =	sor.u32 $0x8000, s16  }
0x39: {  	s31 =	sand.u32 $0x1, s12;
	v1 =	vld [tilespmem:s18+$0x0];
	s19 =	sadd.s32 $0x0, s17  }
0x3a: {  	v2 =	vld [tilespmem:s18+$0x10];
	s16 =	smul.u32 $0x10200, s31;
	[tilespmem:s19+$0x3870 ss:$0x81] =	vst.msk $0xffff, v0  }
0x3b: {  	[tilespmem:s19+$0x810 ss:$0x81] =	vst.msk $0xffff, v3;
	v3 =	vld [tilespmem:s18+$0x20]  }
0x3c: {  	s16 =	sshrl.u32 s16, $0x2;
	v0 =	vld [tilespmem:s18+$0xFFFFFFC0];
	[tilespmem:s19+$0x1020 ss:$0x81] =	vst.msk $0xffff, v4;
	s18 =	sadd.s32 $0x80, s18  }
0x3d: {  	s20 =	simm.s32 $0x4;
	s21 =	simm.s32 $0x8;
	s16 =	sor.u32 $0x8000, s16;
	[tilespmem:s19+$0x1830 ss:$0x81] =	vst.msk $0xffff, v5;
	v4 =	vld [tilespmem:s18+$0x30]  }
.LBB1_3:
0x3e: {  	p1 =	sne.s32 s21, $0x1FC;
	v5 =	vld [tilespmem:s18+$0xFFFFFFD0];
	[tilespmem:s19+$0x2040 ss:$0x81] =	vst.msk $0xffff, v1  }
0x3f: {  	v6 =	vld [tilespmem:s18+$0xFFFFFFE0];
	[tilespmem:s19+$0x2850 ss:$0x81] =	vst.msk $0xffff, v2  }
0x40: {  	s22 =	sshra.s32 s20, $0x2;
	s20 =	smov.u32 s21;
	v7 =	vld [tilespmem:s18+$0xFFFFFFF0];
	[tilespmem:s19+$0x3060 ss:$0x81] =	vst.msk $0xffff, v3  }
.Ltmp3:
0x41: {  	v1 =	vld [tilespmem:s18+$0x0];
	[tilespmem:s19+$0x0 ss:$0x81] =	vst.msk $0xffff, v0;
	s19 =	sadd.s32 s22, s17;
	(pc) =	sbr.rel @p1 .LBB1_3-.Ltmp3, $4  }
0x42: {  	v2 =	vld [tilespmem:s18+$0x10];
	[tilespmem:s19+$0x3870 ss:$0x81] =	vst.msk $0xffff, v4  }
0x43: {  	[tilespmem:s19+$0x810 ss:$0x81] =	vst.msk $0xffff, v5;
	v3 =	vld [tilespmem:s18+$0x20]  }
0x44: {  	v0 =	vld [tilespmem:s18+$0xFFFFFFC0];
	[tilespmem:s19+$0x1020 ss:$0x81] =	vst.msk $0xffff, v6;
	s18 =	sadd.s32 $0x80, s18  }
0x45: {  	s21 =	sadd.s32 $0x4, s21;
	v4 =	vld [tilespmem:s18+$0x30];
	[tilespmem:s19+$0x1830 ss:$0x81] =	vst.msk $0xffff, v7  }
.Ltmp4:
0x46: {  	_ = 	snop;
	(pc) =	sbr.rel .LBB1_4-.Ltmp4, $1  }
0x47: {  	_ =	sdelay $0x3  }
.LBB1_6:
0x48: {  	_ =	sfence.sel $0x180000  }
0x49: {  	s1 =	simm.s32 $0x1;
	[bflag:$0x0] =	sbarrier.arrive $0xFFFF  }
0x4a: {  	s31 =	simm.s32 $0x2;
	[sflag:s1] =	ssyncpa.u1 $0x1  }
0x4b: {  	[sflag:s31] =	ssyncpa.u1 $0x1  }
0x4c: {  	p0 =	sne.s32 s3, $0x0;
	_ =	strace $0x90000047  }
0x4d: {  	s0 =	sadd.s32 @!p0 $0x100000, s0;
	[bflag:$0x2] =	sbarrier.arrive $0xFFFF  }
0x4e: {  	[sflag:s0] =	ssyncadd.tile.s32 @!p0 $0x1;
	_ =	shalt  }
.Lfunc_end1:
_tile_overlayer_lowered:
.L_overlay_start_2:
0x4f: {  	(tag) =	ssettag $0x2  }
0x50: {  	s0 =	rddreg [dreg:$0x0];
	s2 =	stileid.u32  }
0x51: {  	s1 =	rddreg [dreg:$0x1];
	p0 =	sne.s32 s2, $0x0  }
0x52: {  	s3 =	rddreg [dreg:$0x2];
	[bflag:$0x3] =	sbarrier.arrive $0xFFFF;
	s2 =	simm.s32 @!p0 $0x1C01  }
0x53: {  	[timem:s3], [sflag:s2] =	dma.local @!p0 [hbm:s0], s1  }
0x54: {  	s0 =	simm.s32 @!p0 $0x1  }
0x55: {  	_ =	swait.ge @!p0 [sflag:s0], s1  }
0x56: {  	s1 =	ssub.s32 @!p0 $0x0, s1;
	[sflag:s0] =	ssyncset.done @!p0 $0x0  }
0x57: {  	[sflag:s0] =	ssyncadd.s32 @!p0 s1  }
0x58: {  	[bflag:$0x3] =	sbarrier.arrive $0xFFFF  }
0x59: {  	_ =	shalt  }

</sc_bundles>
